<compile_context>
chip_gen: v7x
topology: tpu7x:2x2x1
jax: 0.10.2.dev20260603
libtpu: 0.0.44.dev20260713+nightly
codegen_flags: <defaults>
</compile_context>

<pallas_src>
import functools

import jax
import jax.numpy as jnp
from jax import lax
from jax.experimental import pallas as pl
from jax.experimental.pallas import tpu as pltpu
from jax.experimental.pallas import tpu_sc as plsc

VOCAB = 400002
EMBED_DIM = 128
UNK_IDX = 0
PAD_IDX = VOCAB - 1

NC = 2
NS = 16
LANES = 16
NW = NC * NS

B_TOTAL = 1024 * 200
B_PER_W = B_TOTAL // NW
CHUNK = 128
NCHUNK = B_PER_W // CHUNK
NBUF = 5
NGROUP = NCHUNK // NBUF

_mesh = plsc.VectorSubcoreMesh(core_axis_name="c", subcore_axis_name="s")


@functools.partial(
    pl.kernel,
    out_type=jax.ShapeDtypeStruct((B_TOTAL, EMBED_DIM), jnp.float32),
    mesh=_mesh,
    scratch_types=[
        pltpu.VMEM((B_PER_W,), jnp.int32),
        [pltpu.VMEM((CHUNK, EMBED_DIM), jnp.float32) for _ in range(NBUF)],
        [pltpu.SemaphoreType.DMA for _ in range(NBUF)],
        [pltpu.SemaphoreType.DMA for _ in range(NBUF)],
    ],
)
def _gather_kernel(idx_hbm, table_hbm, out_hbm, idx_all, rows, gsem, wsem):
    wid = lax.axis_index("s") * NC + lax.axis_index("c")
    base0 = wid * B_PER_W

    pltpu.sync_copy(idx_hbm.at[pl.ds(base0, B_PER_W)], idx_all)

    def clamp_body(vi, c):
        v = idx_all[pl.ds(vi * LANES, LANES)]
        v = jnp.where(v > PAD_IDX, UNK_IDX, v)
        v = jnp.where(v < 0, PAD_IDX, v)
        idx_all[pl.ds(vi * LANES, LANES)] = v
        return c

    lax.fori_loop(0, B_PER_W // LANES, clamp_body, 0)

    def start_gather(ci, b):
        pltpu.async_copy(
            table_hbm.at[idx_all.at[pl.ds(ci * CHUNK, CHUNK)]], rows[b], gsem[b]
        )

    def wait_gather(b):
        pltpu.make_async_copy(
            table_hbm.at[idx_all.at[pl.ds(0, CHUNK)]], rows[b], gsem[b]
        ).wait()

    def start_writeback(ci, b):
        pltpu.async_copy(
            rows[b], out_hbm.at[pl.ds(base0 + ci * CHUNK, CHUNK)], wsem[b]
        )

    def wait_writeback(b):
        pltpu.make_async_copy(
            rows[b], out_hbm.at[pl.ds(base0, CHUNK)], wsem[b]
        ).wait()

    for b in range(NBUF):
        start_gather(b, b)

    def group_body(g, c):
        for b in range(NBUF):
            ci = g * NBUF + b
            wait_gather(b)
            start_writeback(ci, b)
            wait_writeback(b)
            start_gather(ci + NBUF, b)
        return c

    lax.fori_loop(0, NGROUP - 1, group_body, 0)

    for b in range(NBUF):
        ci = (NGROUP - 1) * NBUF + b
        wait_gather(b)
        start_writeback(ci, b)
    for b in range(NBUF):
        wait_writeback(b)


def kernel(idxes, fixed_table):
    flat = idxes.reshape(-1)
    out = _gather_kernel(flat, fixed_table)
    return out.reshape(idxes.shape + (EMBED_DIM,))

# --- scband reference (transcript-rebuilt; emitter-appended) ---
"""Pipeline reference for scband-glove-embedding-3212635538045 (READ-ONLY COPY).

The authoritative reference and input builder live on the scoring server;
editing this copy changes nothing except your own understanding.
"""

import jax, jax.numpy as jnp
import numpy as np

VOCAB = 400002
EMBED_DIM = 128
UNK_IDX = 0
PAD_IDX = VOCAB - 1  # nn.Embedding padding_idx=-1 resolves to num_embeddings-1 = 400001


def setup_inputs(seed: int = 0) -> dict:
    key = jax.random.key(seed)
    k1, k2 = jax.random.split(key)
    idxes = jax.random.randint(k1, (1024, 200), 0, VOCAB, dtype=jnp.int32)
    fixed_table = jax.random.normal(k2, (VOCAB, EMBED_DIM), dtype=jnp.float32) * 0.02
    # padding row is zero, matching nn.Embedding padding_idx semantics
    fixed_table = fixed_table.at[PAD_IDX].set(0.0)
    return {"idxes": idxes, "fixed_table": fixed_table}


def reference(idxes, fixed_table):
    # fixed_idxes = idxes.clone(); fixed_idxes[idxes > 400001] = wordtoidx['<unk>']
    fixed_idxes = jnp.where(idxes > 400001, UNK_IDX, idxes)
    # fixed_idxes[idxes < 0] = padding_idx (resolved to 400001)
    fixed_idxes = jnp.where(idxes < 0, PAD_IDX, fixed_idxes)
    # return self.fixed_embedding(fixed_idxes)
    return jnp.take(fixed_table, fixed_idxes, axis=0)

if __name__ == "__main__":
    import jax
    _d = setup_inputs()
    print(jax.jit(kernel)(*tuple(_d.values())))

</pallas_src>

<mosaic_0001>
#map = affine_map<(d0, d1) -> (0)>
#map1 = affine_map<(d0, d1) -> (0, 0)>
module attributes {stable_mosaic.version = 14 : i64} {
  func.func @_gather_kernel(%arg0: i32, %arg1: i32, %arg2: memref<204800xi32, #tpu.memory_space<hbm>>, %arg3: memref<400002x128xf32, #tpu.memory_space<hbm>>, %arg4: memref<204800x128xf32, #tpu.memory_space<hbm>>, %arg5: memref<6400xi32, #tpu.memory_space<vmem>>, %arg6: memref<128x128xf32, #tpu.memory_space<vmem>>, %arg7: memref<128x128xf32, #tpu.memory_space<vmem>>, %arg8: memref<128x128xf32, #tpu.memory_space<vmem>>, %arg9: memref<128x128xf32, #tpu.memory_space<vmem>>, %arg10: memref<128x128xf32, #tpu.memory_space<vmem>>, %arg11: memref<!tpu.dma_semaphore, #tpu.memory_space<semaphore_mem>>, %arg12: memref<!tpu.dma_semaphore, #tpu.memory_space<semaphore_mem>>, %arg13: memref<!tpu.dma_semaphore, #tpu.memory_space<semaphore_mem>>, %arg14: memref<!tpu.dma_semaphore, #tpu.memory_space<semaphore_mem>>, %arg15: memref<!tpu.dma_semaphore, #tpu.memory_space<semaphore_mem>>, %arg16: memref<!tpu.dma_semaphore, #tpu.memory_space<semaphore_mem>>, %arg17: memref<!tpu.dma_semaphore, #tpu.memory_space<semaphore_mem>>, %arg18: memref<!tpu.dma_semaphore, #tpu.memory_space<semaphore_mem>>, %arg19: memref<!tpu.dma_semaphore, #tpu.memory_space<semaphore_mem>>, %arg20: memref<!tpu.dma_semaphore, #tpu.memory_space<semaphore_mem>>) attributes {dimension_semantics = [#tpu.dimension_semantics<core_parallel>, #tpu.dimension_semantics<subcore_parallel>], iteration_bounds = array<i64: 2, 16>, scalar_prefetch = 0 : i64, scratch_operands = 16 : i64, tpu.core_type = #tpu.core_type<sc_vector_subcore>, window_params = [{transform_indices = #map}, {transform_indices = #map1}, {transform_indices = #map1}]} {
    %mul3A = arith.constant 2 : i32
    %mul3A_0 = arith.muli %arg1, %mul3A : i32
    %add3A = arith.addi %mul3A_0, %arg0 : i32
    %mul3A_1 = arith.constant 6400 : i32
    %mul3A_2 = arith.muli %add3A, %mul3A_1 : i32
    "tpu.region"() ({
      %run_scoped3A = tpu.sem_alloc : memref<!tpu.dma_semaphore, #tpu.memory_space<semaphore_mem>>
      %dma_start3A_112 = tpu.memref_slice %arg2[%mul3A_2] : memref<204800xi32, #tpu.memory_space<hbm>> -> memref<6400xi32, #tpu.memory_space<hbm>>
      %dma_start3A_113 = tpu.memref_slice %arg2[%mul3A_2] : memref<204800xi32, #tpu.memory_space<hbm>> -> memref<6400xi32, #tpu.memory_space<hbm>>
      tpu.enqueue_dma source(%dma_start3A_113 : memref<6400xi32, #tpu.memory_space<hbm>>) target(%arg5 : memref<6400xi32, #tpu.memory_space<vmem>>) target_semaphore(%run_scoped3A : memref<!tpu.dma_semaphore, #tpu.memory_space<semaphore_mem>>)
      %dma_wait3A_114 = tpu.memref_slice %arg2[%mul3A_2] : memref<204800xi32, #tpu.memory_space<hbm>> -> memref<6400xi32, #tpu.memory_space<hbm>>
      %dma_wait3A_115 = tpu.memref_slice %arg2[%mul3A_2] : memref<204800xi32, #tpu.memory_space<hbm>> -> memref<6400xi32, #tpu.memory_space<hbm>>
      tpu.wait_dma2 semaphore(%run_scoped3A : memref<!tpu.dma_semaphore, #tpu.memory_space<semaphore_mem>>) src(%dma_wait3A_115 : memref<6400xi32, #tpu.memory_space<hbm>>) dst(%arg5 : memref<6400xi32, #tpu.memory_space<vmem>>)
      tpu.yield
    }) : () -> ()
    %scan3A = arith.constant 0 : i32
    %scan3A_3 = arith.constant 0 : i32
    %scan3A_4 = arith.constant 400 : i32
    %scan3A_5 = arith.addi %scan3A_3, %scan3A_4 : i32
    %scan3A_6 = arith.constant 1 : i32
    scf.for %scan3A_112 = %scan3A_3 to %scan3A_5 step %scan3A_6  : i32 {
      %mul3A_113 = arith.constant 16 : i32
      %mul3A_114 = arith.muli %scan3A_112, %mul3A_113 : i32
      %get3A = arith.index_cast %mul3A_114 : i32 to index
      %get3A_115 = tpu.vector_load %arg5[%get3A] {strides = array<i32>} : memref<6400xi32, #tpu.memory_space<vmem>>, vector<16xi32>,
      %get3A_116 = vector.shape_cast %get3A_115 : vector<16xi32> to vector<16xi32>
      %gt3A = arith.constant 400001 : i32
      %gt3A_117 = vector.broadcast %gt3A : i32 to vector<16xi32>
      %gt3A_118 = arith.cmpi sgt, %get3A_116, %gt3A_117 : vector<16xi32>
      %jit3A = arith.constant 0 : i32
      %broadcast_in_dim3A = vector.broadcast %jit3A : i32 to vector<16xi32>
      %select_n3A = arith.select %gt3A_118, %broadcast_in_dim3A, %get3A_116 : vector<16xi1>, vector<16xi32>
      %lt3A = arith.constant 0 : i32
      %lt3A_119 = vector.broadcast %lt3A : i32 to vector<16xi32>
      %lt3A_120 = arith.cmpi slt, %select_n3A, %lt3A_119 : vector<16xi32>
      %jit3A_121 = arith.constant 400001 : i32
      %broadcast_in_dim3A_122 = vector.broadcast %jit3A_121 : i32 to vector<16xi32>
      %select_n3A_123 = arith.select %lt3A_120, %broadcast_in_dim3A_122, %select_n3A : vector<16xi1>, vector<16xi32>
      %mul3A_124 = arith.constant 16 : i32
      %mul3A_125 = arith.muli %scan3A_112, %mul3A_124 : i32
      %swap3A = arith.index_cast %mul3A_125 : i32 to index
      %swap3A_126 = tpu.vector_load %arg5[%swap3A] {strides = array<i32>} : memref<6400xi32, #tpu.memory_space<vmem>>, vector<16xi32>,
      %swap3A_127 = vector.shape_cast %swap3A_126 : vector<16xi32> to vector<16xi32>
      %swap3A_128 = vector.shape_cast %select_n3A_123 : vector<16xi32> to vector<16xi32>
      tpu.vector_store %arg5[%swap3A], %swap3A_128 {strides = array<i32>} : memref<6400xi32, #tpu.memory_space<vmem>>, vector<16xi32>,
    }
    %scan3A_7 = arith.constant 400 : i32
    %dma_start3A = arith.constant 0 : i32
    %dma_start3A_8 = tpu.memref_slice %arg5[%dma_start3A] : memref<6400xi32, #tpu.memory_space<vmem>> -> memref<128xi32, #tpu.memory_space<vmem>>
    %dma_start3A_9 = arith.constant 0 : i32
    %dma_start3A_10 = arith.constant 0 : i32
    %dma_start3A_11 = tpu.memref_slice %arg3[%dma_start3A_9, %dma_start3A_10] : memref<400002x128xf32, #tpu.memory_space<hbm>> -> memref<400002x128xf32, #tpu.memory_space<hbm>>
    tpu.enqueue_indirect_dma source(%dma_start3A_11 : memref<400002x128xf32, #tpu.memory_space<hbm>>) target(%arg6 : memref<128x128xf32, #tpu.memory_space<vmem>>) offsets(%dma_start3A_8 : memref<128xi32, #tpu.memory_space<vmem>>) semaphore(%arg11 : memref<!tpu.dma_semaphore, #tpu.memory_space<semaphore_mem>>)
    %dma_start3A_12 = arith.constant 128 : i32
    %dma_start3A_13 = tpu.memref_slice %arg5[%dma_start3A_12] : memref<6400xi32, #tpu.memory_space<vmem>> -> memref<128xi32, #tpu.memory_space<vmem>>
    %dma_start3A_14 = arith.constant 0 : i32
    %dma_start3A_15 = arith.constant 0 : i32
    %dma_start3A_16 = tpu.memref_slice %arg3[%dma_start3A_14, %dma_start3A_15] : memref<400002x128xf32, #tpu.memory_space<hbm>> -> memref<400002x128xf32, #tpu.memory_space<hbm>>
    tpu.enqueue_indirect_dma source(%dma_start3A_16 : memref<400002x128xf32, #tpu.memory_space<hbm>>) target(%arg7 : memref<128x128xf32, #tpu.memory_space<vmem>>) offsets(%dma_start3A_13 : memref<128xi32, #tpu.memory_space<vmem>>) semaphore(%arg12 : memref<!tpu.dma_semaphore, #tpu.memory_space<semaphore_mem>>)
    %dma_start3A_17 = arith.constant 256 : i32
    %dma_start3A_18 = tpu.memref_slice %arg5[%dma_start3A_17] : memref<6400xi32, #tpu.memory_space<vmem>> -> memref<128xi32, #tpu.memory_space<vmem>>
    %dma_start3A_19 = arith.constant 0 : i32
    %dma_start3A_20 = arith.constant 0 : i32
    %dma_start3A_21 = tpu.memref_slice %arg3[%dma_start3A_19, %dma_start3A_20] : memref<400002x128xf32, #tpu.memory_space<hbm>> -> memref<400002x128xf32, #tpu.memory_space<hbm>>
    tpu.enqueue_indirect_dma source(%dma_start3A_21 : memref<400002x128xf32, #tpu.memory_space<hbm>>) target(%arg8 : memref<128x128xf32, #tpu.memory_space<vmem>>) offsets(%dma_start3A_18 : memref<128xi32, #tpu.memory_space<vmem>>) semaphore(%arg13 : memref<!tpu.dma_semaphore, #tpu.memory_space<semaphore_mem>>)
    %dma_start3A_22 = arith.constant 384 : i32
    %dma_start3A_23 = tpu.memref_slice %arg5[%dma_start3A_22] : memref<6400xi32, #tpu.memory_space<vmem>> -> memref<128xi32, #tpu.memory_space<vmem>>
    %dma_start3A_24 = arith.constant 0 : i32
    %dma_start3A_25 = arith.constant 0 : i32
    %dma_start3A_26 = tpu.memref_slice %arg3[%dma_start3A_24, %dma_start3A_25] : memref<400002x128xf32, #tpu.memory_space<hbm>> -> memref<400002x128xf32, #tpu.memory_space<hbm>>
    tpu.enqueue_indirect_dma source(%dma_start3A_26 : memref<400002x128xf32, #tpu.memory_space<hbm>>) target(%arg9 : memref<128x128xf32, #tpu.memory_space<vmem>>) offsets(%dma_start3A_23 : memref<128xi32, #tpu.memory_space<vmem>>) semaphore(%arg14 : memref<!tpu.dma_semaphore, #tpu.memory_space<semaphore_mem>>)
    %dma_start3A_27 = arith.constant 512 : i32
    %dma_start3A_28 = tpu.memref_slice %arg5[%dma_start3A_27] : memref<6400xi32, #tpu.memory_space<vmem>> -> memref<128xi32, #tpu.memory_space<vmem>>
    %dma_start3A_29 = arith.constant 0 : i32
    %dma_start3A_30 = arith.constant 0 : i32
    %dma_start3A_31 = tpu.memref_slice %arg3[%dma_start3A_29, %dma_start3A_30] : memref<400002x128xf32, #tpu.memory_space<hbm>> -> memref<400002x128xf32, #tpu.memory_space<hbm>>
    tpu.enqueue_indirect_dma source(%dma_start3A_31 : memref<400002x128xf32, #tpu.memory_space<hbm>>) target(%arg10 : memref<128x128xf32, #tpu.memory_space<vmem>>) offsets(%dma_start3A_28 : memref<128xi32, #tpu.memory_space<vmem>>) semaphore(%arg15 : memref<!tpu.dma_semaphore, #tpu.memory_space<semaphore_mem>>)
    %scan3A_32 = arith.constant 0 : i32
    %scan3A_33 = arith.constant 0 : i32
    %scan3A_34 = arith.constant 9 : i32
    %scan3A_35 = arith.addi %scan3A_33, %scan3A_34 : i32
    %scan3A_36 = arith.constant 1 : i32
    scf.for %scan3A_112 = %scan3A_33 to %scan3A_35 step %scan3A_36  : i32 {
      %mul3A_113 = arith.constant 5 : i32
      %mul3A_114 = arith.muli %scan3A_112, %mul3A_113 : i32
      %add3A_115 = arith.constant 0 : i32
      %add3A_116 = arith.addi %mul3A_114, %add3A_115 : i32
      %dma_wait3A_117 = arith.constant 0 : i32
      %dma_wait3A_118 = tpu.memref_slice %arg5[%dma_wait3A_117] : memref<6400xi32, #tpu.memory_space<vmem>> -> memref<128xi32, #tpu.memory_space<vmem>>
      %dma_wait3A_119 = arith.constant 0 : i32
      %dma_wait3A_120 = arith.constant 0 : i32
      %dma_wait3A_121 = tpu.memref_slice %arg3[%dma_wait3A_119, %dma_wait3A_120] : memref<400002x128xf32, #tpu.memory_space<hbm>> -> memref<400002x128xf32, #tpu.memory_space<hbm>>
      tpu.wait_indirect_dma semaphore(%arg11 : memref<!tpu.dma_semaphore, #tpu.memory_space<semaphore_mem>>) src(%dma_wait3A_121 : memref<400002x128xf32, #tpu.memory_space<hbm>>) dst(%arg6 : memref<128x128xf32, #tpu.memory_space<vmem>>)
      %mul3A_122 = arith.constant 128 : i32
      %mul3A_123 = arith.muli %add3A_116, %mul3A_122 : i32
      %add3A_124 = arith.addi %mul3A_2, %mul3A_123 : i32
      %dma_start3A_125 = arith.constant 0 : i32
      %dma_start3A_126 = tpu.memref_slice %arg4[%add3A_124, %dma_start3A_125] : memref<204800x128xf32, #tpu.memory_space<hbm>> -> memref<128x128xf32, #tpu.memory_space<hbm>>
      %dma_start3A_127 = arith.constant 0 : i32
      %dma_start3A_128 = tpu.memref_slice %arg4[%add3A_124, %dma_start3A_127] : memref<204800x128xf32, #tpu.memory_space<hbm>> -> memref<128x128xf32, #tpu.memory_space<hbm>>
      tpu.enqueue_dma source(%arg6 : memref<128x128xf32, #tpu.memory_space<vmem>>) target(%dma_start3A_128 : memref<128x128xf32, #tpu.memory_space<hbm>>) target_semaphore(%arg16 : memref<!tpu.dma_semaphore, #tpu.memory_space<semaphore_mem>>)
      %dma_wait3A_129 = arith.constant 0 : i32
      %dma_wait3A_130 = tpu.memref_slice %arg4[%mul3A_2, %dma_wait3A_129] : memref<204800x128xf32, #tpu.memory_space<hbm>> -> memref<128x128xf32, #tpu.memory_space<hbm>>
      %dma_wait3A_131 = arith.constant 0 : i32
      %dma_wait3A_132 = tpu.memref_slice %arg4[%mul3A_2, %dma_wait3A_131] : memref<204800x128xf32, #tpu.memory_space<hbm>> -> memref<128x128xf32, #tpu.memory_space<hbm>>
      tpu.wait_dma2 semaphore(%arg16 : memref<!tpu.dma_semaphore, #tpu.memory_space<semaphore_mem>>) src(%arg6 : memref<128x128xf32, #tpu.memory_space<vmem>>) dst(%dma_wait3A_132 : memref<128x128xf32, #tpu.memory_space<hbm>>)
      %add3A_133 = arith.constant 5 : i32
      %add3A_134 = arith.addi %add3A_116, %add3A_133 : i32
      %mul3A_135 = arith.constant 128 : i32
      %mul3A_136 = arith.muli %add3A_134, %mul3A_135 : i32
      %dma_start3A_137 = tpu.memref_slice %arg5[%mul3A_136] : memref<6400xi32, #tpu.memory_space<vmem>> -> memref<128xi32, #tpu.memory_space<vmem>>
      %dma_start3A_138 = arith.constant 0 : i32
      %dma_start3A_139 = arith.constant 0 : i32
      %dma_start3A_140 = tpu.memref_slice %arg3[%dma_start3A_138, %dma_start3A_139] : memref<400002x128xf32, #tpu.memory_space<hbm>> -> memref<400002x128xf32, #tpu.memory_space<hbm>>
      tpu.enqueue_indirect_dma source(%dma_start3A_140 : memref<400002x128xf32, #tpu.memory_space<hbm>>) target(%arg6 : memref<128x128xf32, #tpu.memory_space<vmem>>) offsets(%dma_start3A_137 : memref<128xi32, #tpu.memory_space<vmem>>) semaphore(%arg11 : memref<!tpu.dma_semaphore, #tpu.memory_space<semaphore_mem>>)
      %mul3A_141 = arith.constant 5 : i32
      %mul3A_142 = arith.muli %scan3A_112, %mul3A_141 : i32
      %add3A_143 = arith.constant 1 : i32
      %add3A_144 = arith.addi %mul3A_142, %add3A_143 : i32
      %dma_wait3A_145 = arith.constant 0 : i32
      %dma_wait3A_146 = tpu.memref_slice %arg5[%dma_wait3A_145] : memref<6400xi32, #tpu.memory_space<vmem>> -> memref<128xi32, #tpu.memory_space<vmem>>
      %dma_wait3A_147 = arith.constant 0 : i32
      %dma_wait3A_148 = arith.constant 0 : i32
      %dma_wait3A_149 = tpu.memref_slice %arg3[%dma_wait3A_147, %dma_wait3A_148] : memref<400002x128xf32, #tpu.memory_space<hbm>> -> memref<400002x128xf32, #tpu.memory_space<hbm>>
      tpu.wait_indirect_dma semaphore(%arg12 : memref<!tpu.dma_semaphore, #tpu.memory_space<semaphore_mem>>) src(%dma_wait3A_149 : memref<400002x128xf32, #tpu.memory_space<hbm>>) dst(%arg7 : memref<128x128xf32, #tpu.memory_space<vmem>>)
      %mul3A_150 = arith.constant 128 : i32
      %mul3A_151 = arith.muli %add3A_144, %mul3A_150 : i32
      %add3A_152 = arith.addi %mul3A_2, %mul3A_151 : i32
      %dma_start3A_153 = arith.constant 0 : i32
      %dma_start3A_154 = tpu.memref_slice %arg4[%add3A_152, %dma_start3A_153] : memref<204800x128xf32, #tpu.memory_space<hbm>> -> memref<128x128xf32, #tpu.memory_space<hbm>>
      %dma_start3A_155 = arith.constant 0 : i32
      %dma_start3A_156 = tpu.memref_slice %arg4[%add3A_152, %dma_start3A_155] : memref<204800x128xf32, #tpu.memory_space<hbm>> -> memref<128x128xf32, #tpu.memory_space<hbm>>
      tpu.enqueue_dma source(%arg7 : memref<128x128xf32, #tpu.memory_space<vmem>>) target(%dma_start3A_156 : memref<128x128xf32, #tpu.memory_space<hbm>>) target_semaphore(%arg17 : memref<!tpu.dma_semaphore, #tpu.memory_space<semaphore_mem>>)
      %dma_wait3A_157 = arith.constant 0 : i32
      %dma_wait3A_158 = tpu.memref_slice %arg4[%mul3A_2, %dma_wait3A_157] : memref<204800x128xf32, #tpu.memory_space<hbm>> -> memref<128x128xf32, #tpu.memory_space<hbm>>
      %dma_wait3A_159 = arith.constant 0 : i32
      %dma_wait3A_160 = tpu.memref_slice %arg4[%mul3A_2, %dma_wait3A_159] : memref<204800x128xf32, #tpu.memory_space<hbm>> -> memref<128x128xf32, #tpu.memory_space<hbm>>
      tpu.wait_dma2 semaphore(%arg17 : memref<!tpu.dma_semaphore, #tpu.memory_space<semaphore_mem>>) src(%arg7 : memref<128x128xf32, #tpu.memory_space<vmem>>) dst(%dma_wait3A_160 : memref<128x128xf32, #tpu.memory_space<hbm>>)
      %add3A_161 = arith.constant 5 : i32
      %add3A_162 = arith.addi %add3A_144, %add3A_161 : i32
      %mul3A_163 = arith.constant 128 : i32
      %mul3A_164 = arith.muli %add3A_162, %mul3A_163 : i32
      %dma_start3A_165 = tpu.memref_slice %arg5[%mul3A_164] : memref<6400xi32, #tpu.memory_space<vmem>> -> memref<128xi32, #tpu.memory_space<vmem>>
      %dma_start3A_166 = arith.constant 0 : i32
      %dma_start3A_167 = arith.constant 0 : i32
      %dma_start3A_168 = tpu.memref_slice %arg3[%dma_start3A_166, %dma_start3A_167] : memref<400002x128xf32, #tpu.memory_space<hbm>> -> memref<400002x128xf32, #tpu.memory_space<hbm>>
      tpu.enqueue_indirect_dma source(%dma_start3A_168 : memref<400002x128xf32, #tpu.memory_space<hbm>>) target(%arg7 : memref<128x128xf32, #tpu.memory_space<vmem>>) offsets(%dma_start3A_165 : memref<128xi32, #tpu.memory_space<vmem>>) semaphore(%arg12 : memref<!tpu.dma_semaphore, #tpu.memory_space<semaphore_mem>>)
      %mul3A_169 = arith.constant 5 : i32
      %mul3A_170 = arith.muli %scan3A_112, %mul3A_169 : i32
      %add3A_171 = arith.constant 2 : i32
      %add3A_172 = arith.addi %mul3A_170, %add3A_171 : i32
      %dma_wait3A_173 = arith.constant 0 : i32
      %dma_wait3A_174 = tpu.memref_slice %arg5[%dma_wait3A_173] : memref<6400xi32, #tpu.memory_space<vmem>> -> memref<128xi32, #tpu.memory_space<vmem>>
      %dma_wait3A_175 = arith.constant 0 : i32
      %dma_wait3A_176 = arith.constant 0 : i32
      %dma_wait3A_177 = tpu.memref_slice %arg3[%dma_wait3A_175, %dma_wait3A_176] : memref<400002x128xf32, #tpu.memory_space<hbm>> -> memref<400002x128xf32, #tpu.memory_space<hbm>>
      tpu.wait_indirect_dma semaphore(%arg13 : memref<!tpu.dma_semaphore, #tpu.memory_space<semaphore_mem>>) src(%dma_wait3A_177 : memref<400002x128xf32, #tpu.memory_space<hbm>>) dst(%arg8 : memref<128x128xf32, #tpu.memory_space<vmem>>)
      %mul3A_178 = arith.constant 128 : i32
      %mul3A_179 = arith.muli %add3A_172, %mul3A_178 : i32
      %add3A_180 = arith.addi %mul3A_2, %mul3A_179 : i32
      %dma_start3A_181 = arith.constant 0 : i32
      %dma_start3A_182 = tpu.memref_slice %arg4[%add3A_180, %dma_start3A_181] : memref<204800x128xf32, #tpu.memory_space<hbm>> -> memref<128x128xf32, #tpu.memory_space<hbm>>
      %dma_start3A_183 = arith.constant 0 : i32
      %dma_start3A_184 = tpu.memref_slice %arg4[%add3A_180, %dma_start3A_183] : memref<204800x128xf32, #tpu.memory_space<hbm>> -> memref<128x128xf32, #tpu.memory_space<hbm>>
      tpu.enqueue_dma source(%arg8 : memref<128x128xf32, #tpu.memory_space<vmem>>) target(%dma_start3A_184 : memref<128x128xf32, #tpu.memory_space<hbm>>) target_semaphore(%arg18 : memref<!tpu.dma_semaphore, #tpu.memory_space<semaphore_mem>>)
      %dma_wait3A_185 = arith.constant 0 : i32
      %dma_wait3A_186 = tpu.memref_slice %arg4[%mul3A_2, %dma_wait3A_185] : memref<204800x128xf32, #tpu.memory_space<hbm>> -> memref<128x128xf32, #tpu.memory_space<hbm>>
      %dma_wait3A_187 = arith.constant 0 : i32
      %dma_wait3A_188 = tpu.memref_slice %arg4[%mul3A_2, %dma_wait3A_187] : memref<204800x128xf32, #tpu.memory_space<hbm>> -> memref<128x128xf32, #tpu.memory_space<hbm>>
      tpu.wait_dma2 semaphore(%arg18 : memref<!tpu.dma_semaphore, #tpu.memory_space<semaphore_mem>>) src(%arg8 : memref<128x128xf32, #tpu.memory_space<vmem>>) dst(%dma_wait3A_188 : memref<128x128xf32, #tpu.memory_space<hbm>>)
      %add3A_189 = arith.constant 5 : i32
      %add3A_190 = arith.addi %add3A_172, %add3A_189 : i32
      %mul3A_191 = arith.constant 128 : i32
      %mul3A_192 = arith.muli %add3A_190, %mul3A_191 : i32
      %dma_start3A_193 = tpu.memref_slice %arg5[%mul3A_192] : memref<6400xi32, #tpu.memory_space<vmem>> -> memref<128xi32, #tpu.memory_space<vmem>>
      %dma_start3A_194 = arith.constant 0 : i32
      %dma_start3A_195 = arith.constant 0 : i32
      %dma_start3A_196 = tpu.memref_slice %arg3[%dma_start3A_194, %dma_start3A_195] : memref<400002x128xf32, #tpu.memory_space<hbm>> -> memref<400002x128xf32, #tpu.memory_space<hbm>>
      tpu.enqueue_indirect_dma source(%dma_start3A_196 : memref<400002x128xf32, #tpu.memory_space<hbm>>) target(%arg8 : memref<128x128xf32, #tpu.memory_space<vmem>>) offsets(%dma_start3A_193 : memref<128xi32, #tpu.memory_space<vmem>>) semaphore(%arg13 : memref<!tpu.dma_semaphore, #tpu.memory_space<semaphore_mem>>)
      %mul3A_197 = arith.constant 5 : i32
      %mul3A_198 = arith.muli %scan3A_112, %mul3A_197 : i32
      %add3A_199 = arith.constant 3 : i32
      %add3A_200 = arith.addi %mul3A_198, %add3A_199 : i32
      %dma_wait3A_201 = arith.constant 0 : i32
      %dma_wait3A_202 = tpu.memref_slice %arg5[%dma_wait3A_201] : memref<6400xi32, #tpu.memory_space<vmem>> -> memref<128xi32, #tpu.memory_space<vmem>>
      %dma_wait3A_203 = arith.constant 0 : i32
      %dma_wait3A_204 = arith.constant 0 : i32
      %dma_wait3A_205 = tpu.memref_slice %arg3[%dma_wait3A_203, %dma_wait3A_204] : memref<400002x128xf32, #tpu.memory_space<hbm>> -> memref<400002x128xf32, #tpu.memory_space<hbm>>
      tpu.wait_indirect_dma semaphore(%arg14 : memref<!tpu.dma_semaphore, #tpu.memory_space<semaphore_mem>>) src(%dma_wait3A_205 : memref<400002x128xf32, #tpu.memory_space<hbm>>) dst(%arg9 : memref<128x128xf32, #tpu.memory_space<vmem>>)
      %mul3A_206 = arith.constant 128 : i32
      %mul3A_207 = arith.muli %add3A_200, %mul3A_206 : i32
      %add3A_208 = arith.addi %mul3A_2, %mul3A_207 : i32
      %dma_start3A_209 = arith.constant 0 : i32
      %dma_start3A_210 = tpu.memref_slice %arg4[%add3A_208, %dma_start3A_209] : memref<204800x128xf32, #tpu.memory_space<hbm>> -> memref<128x128xf32, #tpu.memory_space<hbm>>
      %dma_start3A_211 = arith.constant 0 : i32
      %dma_start3A_212 = tpu.memref_slice %arg4[%add3A_208, %dma_start3A_211] : memref<204800x128xf32, #tpu.memory_space<hbm>> -> memref<128x128xf32, #tpu.memory_space<hbm>>
      tpu.enqueue_dma source(%arg9 : memref<128x128xf32, #tpu.memory_space<vmem>>) target(%dma_start3A_212 : memref<128x128xf32, #tpu.memory_space<hbm>>) target_semaphore(%arg19 : memref<!tpu.dma_semaphore, #tpu.memory_space<semaphore_mem>>)
      %dma_wait3A_213 = arith.constant 0 : i32
      %dma_wait3A_214 = tpu.memref_slice %arg4[%mul3A_2, %dma_wait3A_213] : memref<204800x128xf32, #tpu.memory_space<hbm>> -> memref<128x128xf32, #tpu.memory_space<hbm>>
      %dma_wait3A_215 = arith.constant 0 : i32
      %dma_wait3A_216 = tpu.memref_slice %arg4[%mul3A_2, %dma_wait3A_215] : memref<204800x128xf32, #tpu.memory_space<hbm>> -> memref<128x128xf32, #tpu.memory_space<hbm>>
      tpu.wait_dma2 semaphore(%arg19 : memref<!tpu.dma_semaphore, #tpu.memory_space<semaphore_mem>>) src(%arg9 : memref<128x128xf32, #tpu.memory_space<vmem>>) dst(%dma_wait3A_216 : memref<128x128xf32, #tpu.memory_space<hbm>>)
      %add3A_217 = arith.constant 5 : i32
      %add3A_218 = arith.addi %add3A_200, %add3A_217 : i32
      %mul3A_219 = arith.constant 128 : i32
      %mul3A_220 = arith.muli %add3A_218, %mul3A_219 : i32
      %dma_start3A_221 = tpu.memref_slice %arg5[%mul3A_220] : memref<6400xi32, #tpu.memory_space<vmem>> -> memref<128xi32, #tpu.memory_space<vmem>>
      %dma_start3A_222 = arith.constant 0 : i32
      %dma_start3A_223 = arith.constant 0 : i32
      %dma_start3A_224 = tpu.memref_slice %arg3[%dma_start3A_222, %dma_start3A_223] : memref<400002x128xf32, #tpu.memory_space<hbm>> -> memref<400002x128xf32, #tpu.memory_space<hbm>>
      tpu.enqueue_indirect_dma source(%dma_start3A_224 : memref<400002x128xf32, #tpu.memory_space<hbm>>) target(%arg9 : memref<128x128xf32, #tpu.memory_space<vmem>>) offsets(%dma_start3A_221 : memref<128xi32, #tpu.memory_space<vmem>>) semaphore(%arg14 : memref<!tpu.dma_semaphore, #tpu.memory_space<semaphore_mem>>)
      %mul3A_225 = arith.constant 5 : i32
      %mul3A_226 = arith.muli %scan3A_112, %mul3A_225 : i32
      %add3A_227 = arith.constant 4 : i32
      %add3A_228 = arith.addi %mul3A_226, %add3A_227 : i32
      %dma_wait3A_229 = arith.constant 0 : i32
      %dma_wait3A_230 = tpu.memref_slice %arg5[%dma_wait3A_229] : memref<6400xi32, #tpu.memory_space<vmem>> -> memref<128xi32, #tpu.memory_space<vmem>>
      %dma_wait3A_231 = arith.constant 0 : i32
      %dma_wait3A_232 = arith.constant 0 : i32
      %dma_wait3A_233 = tpu.memref_slice %arg3[%dma_wait3A_231, %dma_wait3A_232] : memref<400002x128xf32, #tpu.memory_space<hbm>> -> memref<400002x128xf32, #tpu.memory_space<hbm>>
      tpu.wait_indirect_dma semaphore(%arg15 : memref<!tpu.dma_semaphore, #tpu.memory_space<semaphore_mem>>) src(%dma_wait3A_233 : memref<400002x128xf32, #tpu.memory_space<hbm>>) dst(%arg10 : memref<128x128xf32, #tpu.memory_space<vmem>>)
      %mul3A_234 = arith.constant 128 : i32
      %mul3A_235 = arith.muli %add3A_228, %mul3A_234 : i32
      %add3A_236 = arith.addi %mul3A_2, %mul3A_235 : i32
      %dma_start3A_237 = arith.constant 0 : i32
      %dma_start3A_238 = tpu.memref_slice %arg4[%add3A_236, %dma_start3A_237] : memref<204800x128xf32, #tpu.memory_space<hbm>> -> memref<128x128xf32, #tpu.memory_space<hbm>>
      %dma_start3A_239 = arith.constant 0 : i32
      %dma_start3A_240 = tpu.memref_slice %arg4[%add3A_236, %dma_start3A_239] : memref<204800x128xf32, #tpu.memory_space<hbm>> -> memref<128x128xf32, #tpu.memory_space<hbm>>
      tpu.enqueue_dma source(%arg10 : memref<128x128xf32, #tpu.memory_space<vmem>>) target(%dma_start3A_240 : memref<128x128xf32, #tpu.memory_space<hbm>>) target_semaphore(%arg20 : memref<!tpu.dma_semaphore, #tpu.memory_space<semaphore_mem>>)
      %dma_wait3A_241 = arith.constant 0 : i32
      %dma_wait3A_242 = tpu.memref_slice %arg4[%mul3A_2, %dma_wait3A_241] : memref<204800x128xf32, #tpu.memory_space<hbm>> -> memref<128x128xf32, #tpu.memory_space<hbm>>
      %dma_wait3A_243 = arith.constant 0 : i32
      %dma_wait3A_244 = tpu.memref_slice %arg4[%mul3A_2, %dma_wait3A_243] : memref<204800x128xf32, #tpu.memory_space<hbm>> -> memref<128x128xf32, #tpu.memory_space<hbm>>
      tpu.wait_dma2 semaphore(%arg20 : memref<!tpu.dma_semaphore, #tpu.memory_space<semaphore_mem>>) src(%arg10 : memref<128x128xf32, #tpu.memory_space<vmem>>) dst(%dma_wait3A_244 : memref<128x128xf32, #tpu.memory_space<hbm>>)
      %add3A_245 = arith.constant 5 : i32
      %add3A_246 = arith.addi %add3A_228, %add3A_245 : i32
      %mul3A_247 = arith.constant 128 : i32
      %mul3A_248 = arith.muli %add3A_246, %mul3A_247 : i32
      %dma_start3A_249 = tpu.memref_slice %arg5[%mul3A_248] : memref<6400xi32, #tpu.memory_space<vmem>> -> memref<128xi32, #tpu.memory_space<vmem>>
      %dma_start3A_250 = arith.constant 0 : i32
      %dma_start3A_251 = arith.constant 0 : i32
      %dma_start3A_252 = tpu.memref_slice %arg3[%dma_start3A_250, %dma_start3A_251] : memref<400002x128xf32, #tpu.memory_space<hbm>> -> memref<400002x128xf32, #tpu.memory_space<hbm>>
      tpu.enqueue_indirect_dma source(%dma_start3A_252 : memref<400002x128xf32, #tpu.memory_space<hbm>>) target(%arg10 : memref<128x128xf32, #tpu.memory_space<vmem>>) offsets(%dma_start3A_249 : memref<128xi32, #tpu.memory_space<vmem>>) semaphore(%arg15 : memref<!tpu.dma_semaphore, #tpu.memory_space<semaphore_mem>>)
    }
    %scan3A_37 = arith.constant 9 : i32
    %dma_wait3A = arith.constant 0 : i32
    %dma_wait3A_38 = tpu.memref_slice %arg5[%dma_wait3A] : memref<6400xi32, #tpu.memory_space<vmem>> -> memref<128xi32, #tpu.memory_space<vmem>>
    %dma_wait3A_39 = arith.constant 0 : i32
    %dma_wait3A_40 = arith.constant 0 : i32
    %dma_wait3A_41 = tpu.memref_slice %arg3[%dma_wait3A_39, %dma_wait3A_40] : memref<400002x128xf32, #tpu.memory_space<hbm>> -> memref<400002x128xf32, #tpu.memory_space<hbm>>
    tpu.wait_indirect_dma semaphore(%arg11 : memref<!tpu.dma_semaphore, #tpu.memory_space<semaphore_mem>>) src(%dma_wait3A_41 : memref<400002x128xf32, #tpu.memory_space<hbm>>) dst(%arg6 : memref<128x128xf32, #tpu.memory_space<vmem>>)
    %add3A_42 = arith.constant 5760 : i32
    %add3A_43 = arith.addi %mul3A_2, %add3A_42 : i32
    %dma_start3A_44 = arith.constant 0 : i32
    %dma_start3A_45 = tpu.memref_slice %arg4[%add3A_43, %dma_start3A_44] : memref<204800x128xf32, #tpu.memory_space<hbm>> -> memref<128x128xf32, #tpu.memory_space<hbm>>
    %dma_start3A_46 = arith.constant 0 : i32
    %dma_start3A_47 = tpu.memref_slice %arg4[%add3A_43, %dma_start3A_46] : memref<204800x128xf32, #tpu.memory_space<hbm>> -> memref<128x128xf32, #tpu.memory_space<hbm>>
    tpu.enqueue_dma source(%arg6 : memref<128x128xf32, #tpu.memory_space<vmem>>) target(%dma_start3A_47 : memref<128x128xf32, #tpu.memory_space<hbm>>) target_semaphore(%arg16 : memref<!tpu.dma_semaphore, #tpu.memory_space<semaphore_mem>>)
    %dma_wait3A_48 = arith.constant 0 : i32
    %dma_wait3A_49 = tpu.memref_slice %arg5[%dma_wait3A_48] : memref<6400xi32, #tpu.memory_space<vmem>> -> memref<128xi32, #tpu.memory_space<vmem>>
    %dma_wait3A_50 = arith.constant 0 : i32
    %dma_wait3A_51 = arith.constant 0 : i32
    %dma_wait3A_52 = tpu.memref_slice %arg3[%dma_wait3A_50, %dma_wait3A_51] : memref<400002x128xf32, #tpu.memory_space<hbm>> -> memref<400002x128xf32, #tpu.memory_space<hbm>>
    tpu.wait_indirect_dma semaphore(%arg12 : memref<!tpu.dma_semaphore, #tpu.memory_space<semaphore_mem>>) src(%dma_wait3A_52 : memref<400002x128xf32, #tpu.memory_space<hbm>>) dst(%arg7 : memref<128x128xf32, #tpu.memory_space<vmem>>)
    %add3A_53 = arith.constant 5888 : i32
    %add3A_54 = arith.addi %mul3A_2, %add3A_53 : i32
    %dma_start3A_55 = arith.constant 0 : i32
    %dma_start3A_56 = tpu.memref_slice %arg4[%add3A_54, %dma_start3A_55] : memref<204800x128xf32, #tpu.memory_space<hbm>> -> memref<128x128xf32, #tpu.memory_space<hbm>>
    %dma_start3A_57 = arith.constant 0 : i32
    %dma_start3A_58 = tpu.memref_slice %arg4[%add3A_54, %dma_start3A_57] : memref<204800x128xf32, #tpu.memory_space<hbm>> -> memref<128x128xf32, #tpu.memory_space<hbm>>
    tpu.enqueue_dma source(%arg7 : memref<128x128xf32, #tpu.memory_space<vmem>>) target(%dma_start3A_58 : memref<128x128xf32, #tpu.memory_space<hbm>>) target_semaphore(%arg17 : memref<!tpu.dma_semaphore, #tpu.memory_space<semaphore_mem>>)
    %dma_wait3A_59 = arith.constant 0 : i32
    %dma_wait3A_60 = tpu.memref_slice %arg5[%dma_wait3A_59] : memref<6400xi32, #tpu.memory_space<vmem>> -> memref<128xi32, #tpu.memory_space<vmem>>
    %dma_wait3A_61 = arith.constant 0 : i32
    %dma_wait3A_62 = arith.constant 0 : i32
    %dma_wait3A_63 = tpu.memref_slice %arg3[%dma_wait3A_61, %dma_wait3A_62] : memref<400002x128xf32, #tpu.memory_space<hbm>> -> memref<400002x128xf32, #tpu.memory_space<hbm>>
    tpu.wait_indirect_dma semaphore(%arg13 : memref<!tpu.dma_semaphore, #tpu.memory_space<semaphore_mem>>) src(%dma_wait3A_63 : memref<400002x128xf32, #tpu.memory_space<hbm>>) dst(%arg8 : memref<128x128xf32, #tpu.memory_space<vmem>>)
    %add3A_64 = arith.constant 6016 : i32
    %add3A_65 = arith.addi %mul3A_2, %add3A_64 : i32
    %dma_start3A_66 = arith.constant 0 : i32
    %dma_start3A_67 = tpu.memref_slice %arg4[%add3A_65, %dma_start3A_66] : memref<204800x128xf32, #tpu.memory_space<hbm>> -> memref<128x128xf32, #tpu.memory_space<hbm>>
    %dma_start3A_68 = arith.constant 0 : i32
    %dma_start3A_69 = tpu.memref_slice %arg4[%add3A_65, %dma_start3A_68] : memref<204800x128xf32, #tpu.memory_space<hbm>> -> memref<128x128xf32, #tpu.memory_space<hbm>>
    tpu.enqueue_dma source(%arg8 : memref<128x128xf32, #tpu.memory_space<vmem>>) target(%dma_start3A_69 : memref<128x128xf32, #tpu.memory_space<hbm>>) target_semaphore(%arg18 : memref<!tpu.dma_semaphore, #tpu.memory_space<semaphore_mem>>)
    %dma_wait3A_70 = arith.constant 0 : i32
    %dma_wait3A_71 = tpu.memref_slice %arg5[%dma_wait3A_70] : memref<6400xi32, #tpu.memory_space<vmem>> -> memref<128xi32, #tpu.memory_space<vmem>>
    %dma_wait3A_72 = arith.constant 0 : i32
    %dma_wait3A_73 = arith.constant 0 : i32
    %dma_wait3A_74 = tpu.memref_slice %arg3[%dma_wait3A_72, %dma_wait3A_73] : memref<400002x128xf32, #tpu.memory_space<hbm>> -> memref<400002x128xf32, #tpu.memory_space<hbm>>
    tpu.wait_indirect_dma semaphore(%arg14 : memref<!tpu.dma_semaphore, #tpu.memory_space<semaphore_mem>>) src(%dma_wait3A_74 : memref<400002x128xf32, #tpu.memory_space<hbm>>) dst(%arg9 : memref<128x128xf32, #tpu.memory_space<vmem>>)
    %add3A_75 = arith.constant 6144 : i32
    %add3A_76 = arith.addi %mul3A_2, %add3A_75 : i32
    %dma_start3A_77 = arith.constant 0 : i32
    %dma_start3A_78 = tpu.memref_slice %arg4[%add3A_76, %dma_start3A_77] : memref<204800x128xf32, #tpu.memory_space<hbm>> -> memref<128x128xf32, #tpu.memory_space<hbm>>
    %dma_start3A_79 = arith.constant 0 : i32
    %dma_start3A_80 = tpu.memref_slice %arg4[%add3A_76, %dma_start3A_79] : memref<204800x128xf32, #tpu.memory_space<hbm>> -> memref<128x128xf32, #tpu.memory_space<hbm>>
    tpu.enqueue_dma source(%arg9 : memref<128x128xf32, #tpu.memory_space<vmem>>) target(%dma_start3A_80 : memref<128x128xf32, #tpu.memory_space<hbm>>) target_semaphore(%arg19 : memref<!tpu.dma_semaphore, #tpu.memory_space<semaphore_mem>>)
    %dma_wait3A_81 = arith.constant 0 : i32
    %dma_wait3A_82 = tpu.memref_slice %arg5[%dma_wait3A_81] : memref<6400xi32, #tpu.memory_space<vmem>> -> memref<128xi32, #tpu.memory_space<vmem>>
    %dma_wait3A_83 = arith.constant 0 : i32
    %dma_wait3A_84 = arith.constant 0 : i32
    %dma_wait3A_85 = tpu.memref_slice %arg3[%dma_wait3A_83, %dma_wait3A_84] : memref<400002x128xf32, #tpu.memory_space<hbm>> -> memref<400002x128xf32, #tpu.memory_space<hbm>>
    tpu.wait_indirect_dma semaphore(%arg15 : memref<!tpu.dma_semaphore, #tpu.memory_space<semaphore_mem>>) src(%dma_wait3A_85 : memref<400002x128xf32, #tpu.memory_space<hbm>>) dst(%arg10 : memref<128x128xf32, #tpu.memory_space<vmem>>)
    %add3A_86 = arith.constant 6272 : i32
    %add3A_87 = arith.addi %mul3A_2, %add3A_86 : i32
    %dma_start3A_88 = arith.constant 0 : i32
    %dma_start3A_89 = tpu.memref_slice %arg4[%add3A_87, %dma_start3A_88] : memref<204800x128xf32, #tpu.memory_space<hbm>> -> memref<128x128xf32, #tpu.memory_space<hbm>>
    %dma_start3A_90 = arith.constant 0 : i32
    %dma_start3A_91 = tpu.memref_slice %arg4[%add3A_87, %dma_start3A_90] : memref<204800x128xf32, #tpu.memory_space<hbm>> -> memref<128x128xf32, #tpu.memory_space<hbm>>
    tpu.enqueue_dma source(%arg10 : memref<128x128xf32, #tpu.memory_space<vmem>>) target(%dma_start3A_91 : memref<128x128xf32, #tpu.memory_space<hbm>>) target_semaphore(%arg20 : memref<!tpu.dma_semaphore, #tpu.memory_space<semaphore_mem>>)
    %dma_wait3A_92 = arith.constant 0 : i32
    %dma_wait3A_93 = tpu.memref_slice %arg4[%mul3A_2, %dma_wait3A_92] : memref<204800x128xf32, #tpu.memory_space<hbm>> -> memref<128x128xf32, #tpu.memory_space<hbm>>
    %dma_wait3A_94 = arith.constant 0 : i32
    %dma_wait3A_95 = tpu.memref_slice %arg4[%mul3A_2, %dma_wait3A_94] : memref<204800x128xf32, #tpu.memory_space<hbm>> -> memref<128x128xf32, #tpu.memory_space<hbm>>
    tpu.wait_dma2 semaphore(%arg16 : memref<!tpu.dma_semaphore, #tpu.memory_space<semaphore_mem>>) src(%arg6 : memref<128x128xf32, #tpu.memory_space<vmem>>) dst(%dma_wait3A_95 : memref<128x128xf32, #tpu.memory_space<hbm>>)
    %dma_wait3A_96 = arith.constant 0 : i32
    %dma_wait3A_97 = tpu.memref_slice %arg4[%mul3A_2, %dma_wait3A_96] : memref<204800x128xf32, #tpu.memory_space<hbm>> -> memref<128x128xf32, #tpu.memory_space<hbm>>
    %dma_wait3A_98 = arith.constant 0 : i32
    %dma_wait3A_99 = tpu.memref_slice %arg4[%mul3A_2, %dma_wait3A_98] : memref<204800x128xf32, #tpu.memory_space<hbm>> -> memref<128x128xf32, #tpu.memory_space<hbm>>
    tpu.wait_dma2 semaphore(%arg17 : memref<!tpu.dma_semaphore, #tpu.memory_space<semaphore_mem>>) src(%arg7 : memref<128x128xf32, #tpu.memory_space<vmem>>) dst(%dma_wait3A_99 : memref<128x128xf32, #tpu.memory_space<hbm>>)
    %dma_wait3A_100 = arith.constant 0 : i32
    %dma_wait3A_101 = tpu.memref_slice %arg4[%mul3A_2, %dma_wait3A_100] : memref<204800x128xf32, #tpu.memory_space<hbm>> -> memref<128x128xf32, #tpu.memory_space<hbm>>
    %dma_wait3A_102 = arith.constant 0 : i32
    %dma_wait3A_103 = tpu.memref_slice %arg4[%mul3A_2, %dma_wait3A_102] : memref<204800x128xf32, #tpu.memory_space<hbm>> -> memref<128x128xf32, #tpu.memory_space<hbm>>
    tpu.wait_dma2 semaphore(%arg18 : memref<!tpu.dma_semaphore, #tpu.memory_space<semaphore_mem>>) src(%arg8 : memref<128x128xf32, #tpu.memory_space<vmem>>) dst(%dma_wait3A_103 : memref<128x128xf32, #tpu.memory_space<hbm>>)
    %dma_wait3A_104 = arith.constant 0 : i32
    %dma_wait3A_105 = tpu.memref_slice %arg4[%mul3A_2, %dma_wait3A_104] : memref<204800x128xf32, #tpu.memory_space<hbm>> -> memref<128x128xf32, #tpu.memory_space<hbm>>
    %dma_wait3A_106 = arith.constant 0 : i32
    %dma_wait3A_107 = tpu.memref_slice %arg4[%mul3A_2, %dma_wait3A_106] : memref<204800x128xf32, #tpu.memory_space<hbm>> -> memref<128x128xf32, #tpu.memory_space<hbm>>
    tpu.wait_dma2 semaphore(%arg19 : memref<!tpu.dma_semaphore, #tpu.memory_space<semaphore_mem>>) src(%arg9 : memref<128x128xf32, #tpu.memory_space<vmem>>) dst(%dma_wait3A_107 : memref<128x128xf32, #tpu.memory_space<hbm>>)
    %dma_wait3A_108 = arith.constant 0 : i32
    %dma_wait3A_109 = tpu.memref_slice %arg4[%mul3A_2, %dma_wait3A_108] : memref<204800x128xf32, #tpu.memory_space<hbm>> -> memref<128x128xf32, #tpu.memory_space<hbm>>
    %dma_wait3A_110 = arith.constant 0 : i32
    %dma_wait3A_111 = tpu.memref_slice %arg4[%mul3A_2, %dma_wait3A_110] : memref<204800x128xf32, #tpu.memory_space<hbm>> -> memref<128x128xf32, #tpu.memory_space<hbm>>
    tpu.wait_dma2 semaphore(%arg20 : memref<!tpu.dma_semaphore, #tpu.memory_space<semaphore_mem>>) src(%arg10 : memref<128x128xf32, #tpu.memory_space<vmem>>) dst(%dma_wait3A_111 : memref<128x128xf32, #tpu.memory_space<hbm>>)
    return
  }
}

</mosaic_0001>

<sc_bundles>
// kernel: kernel.3.cloned.1.call-start
scs
__scs_entry_jumppad:
0x0: {  	(pc) =	sbr.rel $0x88, $3  }
0x1: {  	(tag) =	ssettag $0x0;
	lr =	simm.s32 $0x1  }
0x2: {  	[smem:$0x3F9F] =	sst lr;
	_ =	strace $0xD0000000  }
0x3: {  	_ = 	snop  }
0x4: {  	_ = 	snop  }
0x5: {  	_ = 	snop  }
0x6: {  	_ = 	snop  }
0x7: {  	_ = 	snop  }
__scs_overlays_trampoline_lowered:
0x8: {  	[smem:$0x3FAE] =	sst s0  }
0x9: {  	[smem:$0x3FAF] =	sst s1  }
0xa: {  	[smem:$0x3FB0] =	sst s2  }
0xb: {  	[smem:$0x3FB1] =	sst s3  }
0xc: {  	[smem:$0x3FB2] =	sst s4  }
0xd: {  	[smem:$0x3FB3] =	sst s5  }
0xe: {  	[smem:$0x3FB4] =	sst s6  }
0xf: {  	[smem:$0x3FB5] =	sst s7  }
0x10: {  	[smem:$0x3FB6] =	sst s8  }
0x11: {  	[smem:$0x3FB7] =	sst s9;
	s0 =	simm.s32 @!p0 $0x0  }
0x12: {  	s1 =	sld [smem:$0x3F9D];
	s0 =	simm.s32 @p0 $0x1  }
0x13: {  	[smem:$0x3FB8] =	sst s0;
	s0 =	simm.s32 @!p1 $0x0  }
0x14: {  	s2 =	sld [smem:$0x3F9C];
	s0 =	simm.s32 @p1 $0x1  }
0x15: {  	[smem:$0x3FB9] =	sst s0;
	s0 =	simm.s32 @!p2 $0x0  }
0x16: {  	s3 =	sld [smem:$0x3FDB];
	s0 =	simm.s32 @p2 $0x1  }
0x17: {  	s4 =	simm.s32 $0x1BF5;
	[smem:$0x3FBB] =	sst s0  }
0x18: {  	s0 =	sld [smem:$0x3F9E];
	_ =	swait.ge [sflag:s4], $0x0  }
0x19: {  	s7 =	sld [smem:$0x3F9F]  }
0x1a: {  	s8 =	sadd.s32 $0xFFFFE003, lr  }
0x1b: {  	s9 =	sadd.s32 $0xFFFFFEF7, lr;
	s5 =	simm.s32 $0xFFFFFFFF;
	p2 =	slt.u32 s8, $0xFFFFF086  }
0x1c: {  	p1 =	slt.u32 s9, $0xF7A;
	s5 =	simm.s32 @!p2 $0x0  }
0x1d: {  	s5 =	simm.s32 @p1 $0x1;
	p0 =	seq.s32 s7, s2  }
0x1e: {  	s7 =	smul.u32 @!p0 $0xF7A, s2;
	p2 =	seq.s32 @!p0 s5, $0x0  }
0x1f: {  	s9 =	smul.u32 $0xF7A, s1;
	s8 =	simm.s32 @!p0 $0x1BF5;
	p2 =	por !p2, p0  }
0x20: {  	[sflag:s8] =	ssyncset.s32 @!p0 $0xFFFFF086;
	s6 =	sadd.s32 @!p0 s3, s7;
	s7 =	simm.s32 @!p0 $0x108  }
0x21: {  	s3 =	sadd.s32 s3, s9;
	s6 =	sadd.s32 @!p0 $0x88, s6;
	s7 =	simm.s32 @p2 $0x1082  }
0x22: {  	[simem:s7], [sflag:s8] =	dma.local @!p0 [hbm:s6], $0xF7A  }
0x23: {  	s9 =	sor.u32 $0xD0000000, s2;
	s6 =	simm.s32 $0x108;
	_ =	swait.ge @!p0 [sflag:s8], $0x0  }
0x24: {  	s3 =	sadd.s32 $0x88, s3;
	s6 =	simm.s32 @!p1 $0x1082;
	[sflag:s4] =	ssyncset.s32 $0xFFFFF086  }
0x25: {  	[simem:s6], [sflag:s4] =	dma.local [hbm:s3], $0xF7A  }
0x26: {  	[smem:$0x3F9F] =	sst s1;
	(tag) =	ssettag s2;
	_ =	strace s9  }
0x27: {  	s1 =	sld [smem:$0x3FAF]  }
0x28: {  	s2 =	sld [smem:$0x3FB0]  }
0x29: {  	s4 =	sld [smem:$0x3FB2]  }
0x2a: {  	p0 =	seq.s32 s5, $0x0;
	s5 =	sld [smem:$0x3FB3]  }
0x2b: {  	s6 =	sld [smem:$0x3FB4]  }
0x2c: {  	s7 =	sld [smem:$0x3FB5]  }
0x2d: {  	s3 =	simm.s32 $0x108;
	s8 =	sld [smem:$0x3FB6]  }
0x2e: {  	s3 =	simm.s32 @!p0 $0x1082;
	s9 =	sld [smem:$0x3FB7]  }
0x2f: {  	lr =	sadd.s32 s0, s3;
	s0 =	sld [smem:$0x3FAE]  }
0x30: {  	s3 =	sld [smem:$0x3FB1]  }
0x31: {  	[smem:$0x3FBA] =	sst s10  }
0x32: {  	s10 =	sld [smem:$0x3FB8];
	_ =	sdelay $0x3  }
0x33: {  	p0 =	seq.s32 s10, $0x1;
	s10 =	sld [smem:$0x3FBA];
	_ =	sdelay $0x3  }
0x34: {  	[smem:$0x3FBA] =	sst s10  }
0x35: {  	s10 =	sld [smem:$0x3FB9];
	_ =	sdelay $0x3  }
0x36: {  	p1 =	seq.s32 s10, $0x1;
	s10 =	sld [smem:$0x3FBA];
	_ =	sdelay $0x3  }
0x37: {  	[smem:$0x3FBA] =	sst s10  }
0x38: {  	s10 =	sld [smem:$0x3FBB]  }
0x39: {  	_ = 	snop;
	(pc) =	sbr.ind lr, $3  }
0x3a: {  	_ = 	snop  }
0x3b: {  	_ = 	snop  }
0x3c: {  	p2 =	seq.s32 s10, $0x1;
	s10 =	sld [smem:$0x3FBA]  }
0x3d: {  	_ =	shalt  }
0x3e: {  	_ =	shalt  }
0x3f: {  	_ =	shalt  }
0x40: {  	_ =	shalt  }
0x41: {  	_ =	shalt  }
0x42: {  	_ =	shalt  }
0x43: {  	_ =	shalt  }
0x44: {  	_ =	shalt  }
0x45: {  	_ =	shalt  }
0x46: {  	_ =	shalt  }
0x47: {  	_ =	shalt  }
0x48: {  	_ =	shalt  }
0x49: {  	_ =	shalt  }
0x4a: {  	_ =	shalt  }
0x4b: {  	_ =	shalt  }
0x4c: {  	_ =	shalt  }
0x4d: {  	_ =	shalt  }
0x4e: {  	_ =	shalt  }
0x4f: {  	_ =	shalt  }
0x50: {  	_ =	shalt  }
0x51: {  	_ =	shalt  }
0x52: {  	_ =	shalt  }
0x53: {  	_ =	shalt  }
0x54: {  	_ =	shalt  }
0x55: {  	_ =	shalt  }
0x56: {  	_ =	shalt  }
0x57: {  	_ =	shalt  }
0x58: {  	_ =	shalt  }
0x59: {  	_ =	shalt  }
0x5a: {  	_ =	shalt  }
0x5b: {  	_ =	shalt  }
0x5c: {  	_ =	shalt  }
0x5d: {  	_ =	shalt  }
0x5e: {  	_ =	shalt  }
0x5f: {  	_ =	shalt  }
0x60: {  	_ =	shalt  }
0x61: {  	_ =	shalt  }
0x62: {  	_ =	shalt  }
0x63: {  	_ =	shalt  }
0x64: {  	_ =	shalt  }
0x65: {  	_ =	shalt  }
0x66: {  	_ =	shalt  }
0x67: {  	_ =	shalt  }
0x68: {  	_ =	shalt  }
0x69: {  	_ =	shalt  }
0x6a: {  	_ =	shalt  }
0x6b: {  	_ =	shalt  }
0x6c: {  	_ =	shalt  }
0x6d: {  	_ =	shalt  }
0x6e: {  	_ =	shalt  }
0x6f: {  	_ =	shalt  }
0x70: {  	_ =	shalt  }
0x71: {  	_ =	shalt  }
0x72: {  	_ =	shalt  }
0x73: {  	_ =	shalt  }
0x74: {  	_ =	shalt  }
0x75: {  	_ =	shalt  }
0x76: {  	_ =	shalt  }
0x77: {  	_ =	shalt  }
0x78: {  	_ =	shalt  }
0x79: {  	_ =	shalt  }
0x7a: {  	_ =	shalt  }
0x7b: {  	_ =	shalt  }
0x7c: {  	_ =	shalt  }
0x7d: {  	_ =	shalt  }
0x7e: {  	_ =	shalt  }
0x7f: {  	_ =	shalt  }
0x80: {  	_ =	shalt  }
0x81: {  	_ =	shalt  }
0x82: {  	_ =	shalt  }
0x83: {  	_ =	shalt  }
0x84: {  	_ =	shalt  }
0x85: {  	_ =	shalt  }
0x86: {  	_ =	shalt  }
0x87: {  	_ =	shalt  }
.Lfunc_end0:
.L_simem_size_0:
called_computation_lowered:
.L_overlay_start_0:
0x88: {  	s2 =	sld [smem:$0x3FD9]  }
0x89: {  	s3 =	sld [smem:$0x3FFE];
	_ =	sdelay $0x1  }
0x8a: {  	s1 =	srdreg.scid  }
0x8b: {  	s0 =	sand.u32 $0x1, s1  }
0x8c: {  	s17 =	sshll.u32 s0, $0xA;
	s2 =	sadd.s32 s3, s2  }
0x8d: {  	s2 =	sadd.s32 s2, s17  }
0x8e: {  	[smem:$0x3FC6] =	sst s2  }
0x8f: {  	_ = 	snop  }
0x90: {  	s2 =	sld [smem:$0x3FC8]  }
0x91: {  	s18 =	sld [smem:$0x3FD0];
	(tm) =	ssettm $0x1  }
0x92: {  	s4 =	sld [smem:$0x3FFB];
	_ =	sdelay $0x3  }
0x93: {  	_ =	strace s4  }
0x94: {  	s4 =	sld [smem:$0x3FFC];
	_ =	sdelay $0x3  }
0x95: {  	_ =	strace s4  }
0x96: {  	s4 =	sld [smem:$0x3FFD];
	_ =	sdelay $0x3  }
0x97: {  	_ =	strace s4  }
0x98: {  	_ =	strace $0x8FFFFFFF  }
0x99: {  	s19 =	sld [smem:$0x3FDB];
	_ =	sdelay $0x1  }
0x9a: {  	s5 =	simm.s32 $_scs_section_size  }
0x9b: {  	s6 =	simm.s32 $_size__tile_overlayer_lowered;
	s7 =	simm.s32 $_tile_overlayer_lowered  }
0x9c: {  	s22 =	simm.s32 $0x1BFF;
	s21 =	sshll.u32 s7, $0x1;
	s4 =	sadd.s32 s5, s19  }
0x9d: {  	s8 =	simm.s32 $0x0;
	s20 =	sshll.u32 s6, $0x1;
	s6 =	sadd.s32 s21, s4  }
0x9e: {  	[timem:s8], [sflag:s22] =	dma.local [hbm:s6], s20  }
0x9f: {  	_ =	swait.ge [sflag:s22], s20  }
0xa0: {  	s5 =	ssub.s32 $0x0, s20;
	[sflag:s22] =	ssyncset.done $0x0  }
0xa1: {  	[sflag:s22] =	ssyncadd.s32 s5;
	_ =	sdelay $0x1  }
0xa2: {  	s23 =	simm.s32 $0x1B8B  }
0xa3: {  	_ =	swait.ge [sflag:s23], $0x1  }
0xa4: {  	[sflag:s23] =	ssyncset.done $0x0  }
0xa5: {  	s25 =	simm.s32 $0x1B8E;
	s24 =	sld [smem:$0x3FFE];
	[sflag:s23] =	ssyncadd.s32 $0xFFFFFFFF  }
0xa6: {  	s26 =	simm.s32 $execute0_lowered;
	[smem:$0x3FD2] =	sst s25  }
0xa7: {  	s6 =	sshll.u32 s26, $0x1;
	_ =	strace $0x80000046;
	[dreg:$0x1] =	wrdreg $0xFFFFFFFF  }
0xa8: {  	s28 =	simm.s32 $_size_execute0_lowered;
	s4 =	sadd.s32 s4, s6;
	[dreg:$0x0] =	wrdreg $0x0  }
0xa9: {  	s6 =	sshll.u32 s28, $0x1;
	[dreg:$0x2] =	wrdreg s4  }
0xaa: {  	[dreg:$0x3] =	wrdreg s6  }
0xab: {  	[dreg:$0x4] =	wrdreg $0xC0  }
0xac: {  	_ =	task [dreg:s8], $0x5FFFF  }
0xad: {  	[dreg:$0x1] =	wrdreg $0xFFFFFFFF  }
0xae: {  	[dreg:$0x0] =	wrdreg $0x60  }
0xaf: {  	[dreg:$0x2] =	wrdreg s24  }
0xb0: {  	[dreg:$0x3] =	wrdreg s2  }
0xb1: {  	[dreg:$0x4] =	wrdreg s18  }
0xb2: {  	[dreg:$0x5] =	wrdreg $0x9  }
0xb3: {  	_ =	task.clear_ibuf [dreg:s8], $0x6FFFF;
	_ =	strace $0x90000046  }
0xb4: {  	s29 =	simm.s32 $0x9;
	_ =	strace $0x80000048  }
0xb5: {  	_ =	swait.ge [sflag:s29], $0x1  }
0xb6: {  	[sflag:s29] =	ssyncadd.s32 $0xFFFFFFFF  }
0xb7: {  	_ =	strace $0x90000048  }
0xb8: {  	_ =	sfence  }
0xb9: {  	s30 =	sld [smem:$0x0];
	_ =	sdelay $0x2  }
0xba: {  	s31 =	sshll.u32 s1, $0xD;
	s1 =	sshrl.u32 s1, $0x2  }
0xbb: {  	s3 =	sand.u32 $0x4000, s31;
	s1 =	sadd.s32 s1, s30  }
0xbc: {  	s0 =	sor.u32 s3, s0;
	s1 =	sshll.u32 s1, $0x11  }
0xbd: {  	s0 =	sor.u32 s1, s0  }
0xbe: {  	s0 =	sadd.s32 $0x8F2B, s0  }
0xbf: {  	[sflag:s0] =	ssyncadd.remote.s32 $0x1  }
0xc0: {  	_ =	sfence.sel $0xFFFF  }
0xc1: {  	[dreg:$0x0] =	wrdreg $0xFFFFFFFF;
	(pc) =	sbr.abs _section_cstart, $3  }
0xc2: {  	[dreg:$0x1] =	wrdreg $0xFFFFFFFF  }
0xc3: {  	_ =	task.clear_ibuf [dreg:s8], $0x2FFFF;
	_ =	strace $0x9FFFFFFF  }
0xc4: {  	(tm) =	ssettm $0x7FFFFFFF  }
0xc5: {  	_ =	shalt  }
tec
execute0_lowered:
.L_overlay_start_1:
0x0: {  	(tag) =	ssettag $0x1  }
0x1: {  	s0 =	rddreg [dreg:$0x0]  }
0x2: {  	s1 =	srdreg.scid;
	s2 =	rddreg [dreg:$0x1]  }
0x3: {  	s8 =	stileid.u32;
	s7 =	rddreg [dreg:$0x2];
	s12 =	simm.s32 $0xB  }
0x4: {  	s13 =	simm.s32 $0x80;
	s14 =	simm.s32 $0x1900;
	s15 =	simm.s32 $0x5900  }
0x5: {  	s17 =	simm.s32 $0x9900;
	s19 =	simm.s32 $0xD900;
	s21 =	simm.s32 $0x11900  }
0x6: {  	s22 =	simm.s32 $0x1;
	s23 =	simm.s32 $0x6;
	s28 =	simm.s32 $0x8  }
0x7: {  	s29 =	simm.s32 $0x4;
	s1 =	sand.u32 $0x1, s1;
	s3 =	sshll.u32 s8, $0x1  }
0x8: {  	s30 =	simm.s32 $0x9;
	s8 =	smul.u32 $0x32000, s8;
	s4 =	sor.u32 s1, s3  }
0x9: {  	s3 =	simm.s32 $0x0;
	s6 =	ssub.s32 $0x2, s1;
	s1 =	smul.u32 $0x19000, s1  }
0xa: {  	s31 =	simm.s32 $0x5;
	s5 =	smul.u32 $0x1900, s4;
	[smem:$0x7FF] =	sst s3  }
0xb: {  	s4 =	smul.u32 $0xC8000, s4;
	s24 =	sshrl.u32 s6, $0x1;
	s9 =	sadd.s32 s8, s7  }
0xc: {  	_ =	strace $0x80000047;
	s10 =	ssub.s32 s6, s24;
	s1 =	sadd.s32 s1, s9  }
0xd: {  	s24 =	simm.s32 $0x2;
	s5 =	sshrl.u32 s5, $0x3;
	s25 =	sshrl.u32 s4, $0x3  }
0xe: {  	s10 =	smax.u32 s10, $0x1;
	s11 =	sadd.s32 $0x2000, s1;
	s1 =	simm.s32 $0xA  }
0xf: {  	s0 =	sadd.s32 s5, s0;
	s26 =	sadd.s32 s7, s25;
	s25 =	simm.s32 $0x7  }
0x10: {  	s0 =	sadd.s32 $0x400, s0;
	s5 =	sadd.s32 $0x16800, s26;
	s6 =	sadd.s32 $0x17000, s26  }
0x11: {  	s7 =	sadd.s32 $0x17800, s26;
	s8 =	sadd.s32 $0x18000, s26;
	s9 =	sadd.s32 $0x18800, s26  }
0x12: {  	s26 =	simm.s32 $0x3;
	[dreg:$0x4] =	wrdreg s0;
	s0 =	simm.s32 $0x0  }
.LBB2_1:
0x13: {  	s4 =	rddreg [dreg:$0x4]  }
0x14: {  	[tilespmem:s3], [sflag:$0xB] =	stream.linear.gather [hbm4b:s4+s3], $0x1900, $0x38;
	[tilespmem:$0x15900] =	vst v63  }
0x15: {  	_ =	swait.ge [sflag:s12], $0x1900  }
0x16: {  	[sflag:s12] =	ssyncset.done $0x0  }
0x17: {  	s16 =	simm.s32 $0x0;
	s18 =	simm.s32 $0x40;
	[sflag:s12] =	ssyncadd.s32 $0xFFFFE700  }
.LBB2_2:
0x18: {  	p0 =	sne.s32 s18, $0x63C0;
	v0 =	vld [tilespmem:s16+$0x0];
	_ =	sdelay $0x4  }
.Ltmp0:
0x19: {  	vm0 =	vgt.s32 v0, $0x61A81;
	(pc) =	sbr.rel @p0 .LBB2_2-.Ltmp0, $4  }
0x1a: {  	v0 =	vsel vm0, $0x0, v0  }
0x1b: {  	vm0 =	vlt.s32 v0, $0x0  }
0x1c: {  	v0 =	vsel vm0, $0x61A81, v0  }
0x1d: {  	[tilespmem:s16+$0x0] =	vst v0;
	s16 =	sshra.s32 s18, $0x2;
	s18 =	sadd.s32 $0x40, s18  }
0x1e: {  	v0 =	vld [tilespmem:s16+$0x0];
	_ =	sdelay $0x4  }
0x1f: {  	vm0 =	vgt.s32 v0, $0x61A81  }
0x20: {  	v0 =	vsel vm0, $0x0, v0  }
0x21: {  	vm0 =	vlt.s32 v0, $0x0  }
0x22: {  	v0 =	vsel vm0, $0x61A81, v0  }
0x23: {  	s18 =	simm.s32 $0x0;
	[tilespmem:s16+$0x0] =	vst v0  }
0x24: {  	[tilespmem:s14], [sflag:$0x1] =	stream.indirect.gather [hbm4b:s2+s13], $0x80, s18, s13, $0xb8;
	[tilespmem:$0x15900] =	vst v63  }
0x25: {  	_ = 	snop  }
0x26: {  	[tilespmem:s15], [sflag:$0x2] =	stream.indirect.gather [hbm4b:s2+s13], $0x80, s13, s13, $0xb8;
	[tilespmem:$0x15900] =	vst v63  }
0x27: {  	s4 =	simm.s32 $0x100  }
0x28: {  	[tilespmem:s17], [sflag:$0x3] =	stream.indirect.gather [hbm4b:s2+s13], $0x80, s4, s13, $0xb8;
	[tilespmem:$0x15900] =	vst v63  }
0x29: {  	s20 =	simm.s32 $0x180  }
0x2a: {  	[tilespmem:s19], [sflag:$0x4] =	stream.indirect.gather [hbm4b:s2+s13], $0x80, s20, s13, $0xb8;
	[tilespmem:$0x15900] =	vst v63  }
0x2b: {  	s16 =	simm.s32 $0x200  }
0x2c: {  	[tilespmem:s21], [sflag:$0x5] =	stream.indirect.gather [hbm4b:s2+s13], $0x80, s16, s13, $0xb8;
	[tilespmem:$0x15900] =	vst v63  }
0x2d: {  	_ =	swait.ge [sflag:s22], $0x4000  }
0x2e: {  	[sflag:s22] =	ssyncset.done $0x0  }
0x2f: {  	s18 =	sadd.s32 $0xFFFFE000, s11;
	[sflag:s22] =	ssyncadd.s32 $0xFFFFC000  }
0x30: {  	[hbm4b:s18+s3] =	stream.linear.scatter [tilespmem:s14], [sflag:$0x6], $0x4000, $0x38;
	[tilespmem:$0x15900] =	vst v63  }
0x31: {  	_ =	swait.ge [sflag:s23], $0x4000  }
0x32: {  	[sflag:s23] =	ssyncset.done $0x0  }
0x33: {  	s20 =	simm.s32 $0x280;
	[sflag:s23] =	ssyncadd.s32 $0xFFFFC000  }
0x34: {  	[tilespmem:s14], [sflag:$0x1] =	stream.indirect.gather [hbm4b:s2+s13], $0x80, s20, s13, $0xb8;
	[tilespmem:$0x15900] =	vst v63  }
0x35: {  	_ =	swait.ge [sflag:s24], $0x4000  }
0x36: {  	[sflag:s24] =	ssyncset.done $0x0  }
0x37: {  	s4 =	sadd.s32 $0xFFFFE800, s11;
	[sflag:s24] =	ssyncadd.s32 $0xFFFFC000  }
0x38: {  	[hbm4b:s4+s3] =	stream.linear.scatter [tilespmem:s15], [sflag:$0x7], $0x4000, $0x38;
	[tilespmem:$0x15900] =	vst v63  }
0x39: {  	_ =	swait.ge [sflag:s25], $0x4000  }
0x3a: {  	[sflag:s25] =	ssyncset.done $0x0  }
0x3b: {  	s18 =	simm.s32 $0x300;
	[sflag:s25] =	ssyncadd.s32 $0xFFFFC000  }
0x3c: {  	[tilespmem:s15], [sflag:$0x2] =	stream.indirect.gather [hbm4b:s2+s13], $0x80, s18, s13, $0xb8;
	[tilespmem:$0x15900] =	vst v63  }
0x3d: {  	_ =	swait.ge [sflag:s26], $0x4000  }
0x3e: {  	[sflag:s26] =	ssyncset.done $0x0  }
0x3f: {  	s20 =	sadd.s32 $0xFFFFF000, s11;
	[sflag:s26] =	ssyncadd.s32 $0xFFFFC000  }
0x40: {  	[hbm4b:s20+s3] =	stream.linear.scatter [tilespmem:s17], [sflag:$0x8], $0x4000, $0x38;
	[tilespmem:$0x15900] =	vst v63  }
0x41: {  	_ =	swait.ge [sflag:s28], $0x4000  }
0x42: {  	[sflag:s28] =	ssyncset.done $0x0  }
0x43: {  	s4 =	simm.s32 $0x380;
	[sflag:s28] =	ssyncadd.s32 $0xFFFFC000  }
0x44: {  	[tilespmem:s17], [sflag:$0x3] =	stream.indirect.gather [hbm4b:s2+s13], $0x80, s4, s13, $0xb8;
	[tilespmem:$0x15900] =	vst v63  }
0x45: {  	_ =	swait.ge [sflag:s29], $0x4000  }
0x46: {  	[sflag:s29] =	ssyncset.done $0x0  }
0x47: {  	s18 =	sadd.s32 $0xFFFFF800, s11;
	[sflag:s29] =	ssyncadd.s32 $0xFFFFC000  }
0x48: {  	[hbm4b:s18+s3] =	stream.linear.scatter [tilespmem:s19], [sflag:$0x9], $0x4000, $0x38;
	[tilespmem:$0x15900] =	vst v63  }
0x49: {  	_ =	swait.ge [sflag:s30], $0x4000  }
0x4a: {  	[sflag:s30] =	ssyncset.done $0x0  }
0x4b: {  	s20 =	simm.s32 $0x400;
	[sflag:s30] =	ssyncadd.s32 $0xFFFFC000  }
0x4c: {  	[tilespmem:s19], [sflag:$0x4] =	stream.indirect.gather [hbm4b:s2+s13], $0x80, s20, s13, $0xb8;
	[tilespmem:$0x15900] =	vst v63  }
0x4d: {  	_ =	swait.ge [sflag:s31], $0x4000  }
0x4e: {  	[sflag:s31] =	ssyncset.done $0x0  }
0x4f: {  	[sflag:s31] =	ssyncadd.s32 $0xFFFFC000  }
0x50: {  	[hbm4b:s11+s3] =	stream.linear.scatter [tilespmem:s21], [sflag:$0xA], $0x4000, $0x38;
	[tilespmem:$0x15900] =	vst v63  }
0x51: {  	_ =	swait.ge [sflag:s1], $0x4000  }
0x52: {  	s16 =	simm.s32 $0xA00;
	[sflag:s1] =	ssyncset.done $0x0  }
0x53: {  	s18 =	sadd.s32 $0x2800, s11;
	s20 =	simm.s32 $0x480;
	[sflag:s1] =	ssyncadd.s32 $0xFFFFC000  }
.LBB2_4:
0x54: {  	[tilespmem:s21], [sflag:$0x5] =	stream.indirect.gather [hbm4b:s2+s13], $0x80, s20, s13, $0xb8;
	[tilespmem:$0x15900] =	vst v63  }
0x55: {  	s20 =	smov.u32 s16  }
0x56: {  	p0 =	sne.s32 s16, $0x5000;
	s16 =	sadd.s32 $0xA00, s16;
	_ =	swait.ge [sflag:s22], $0x4000  }
0x57: {  	[sflag:s22] =	ssyncset.done $0x0  }
0x58: {  	s4 =	sadd.s32 $0xFFFFE000, s18;
	[sflag:s22] =	ssyncadd.s32 $0xFFFFC000  }
0x59: {  	[hbm4b:s4+s3] =	stream.linear.scatter [tilespmem:s14], [sflag:$0x6], $0x4000, $0x38;
	[tilespmem:$0x15900] =	vst v63  }
0x5a: {  	_ =	swait.ge [sflag:s23], $0x4000  }
0x5b: {  	s20 =	sshra.s32 s20, $0x2;
	[sflag:s23] =	ssyncset.done $0x0  }
0x5c: {  	s4 =	sadd.s32 $0x280, s20;
	[sflag:s23] =	ssyncadd.s32 $0xFFFFC000  }
0x5d: {  	[tilespmem:s14], [sflag:$0x1] =	stream.indirect.gather [hbm4b:s2+s13], $0x80, s4, s13, $0xb8;
	[tilespmem:$0x15900] =	vst v63  }
0x5e: {  	_ =	swait.ge [sflag:s24], $0x4000  }
0x5f: {  	[sflag:s24] =	ssyncset.done $0x0  }
0x60: {  	s4 =	sadd.s32 $0xFFFFE800, s18;
	[sflag:s24] =	ssyncadd.s32 $0xFFFFC000  }
0x61: {  	[hbm4b:s4+s3] =	stream.linear.scatter [tilespmem:s15], [sflag:$0x7], $0x4000, $0x38;
	[tilespmem:$0x15900] =	vst v63  }
0x62: {  	_ =	swait.ge [sflag:s25], $0x4000  }
0x63: {  	[sflag:s25] =	ssyncset.done $0x0  }
0x64: {  	s4 =	sadd.s32 $0x300, s20;
	[sflag:s25] =	ssyncadd.s32 $0xFFFFC000  }
0x65: {  	[tilespmem:s15], [sflag:$0x2] =	stream.indirect.gather [hbm4b:s2+s13], $0x80, s4, s13, $0xb8;
	[tilespmem:$0x15900] =	vst v63  }
0x66: {  	_ =	swait.ge [sflag:s26], $0x4000  }
0x67: {  	[sflag:s26] =	ssyncset.done $0x0  }
0x68: {  	s4 =	sadd.s32 $0xFFFFF000, s18;
	[sflag:s26] =	ssyncadd.s32 $0xFFFFC000  }
0x69: {  	[hbm4b:s4+s3] =	stream.linear.scatter [tilespmem:s17], [sflag:$0x8], $0x4000, $0x38;
	[tilespmem:$0x15900] =	vst v63  }
0x6a: {  	_ =	swait.ge [sflag:s28], $0x4000  }
0x6b: {  	[sflag:s28] =	ssyncset.done $0x0  }
0x6c: {  	s4 =	sadd.s32 $0x380, s20;
	[sflag:s28] =	ssyncadd.s32 $0xFFFFC000  }
0x6d: {  	[tilespmem:s17], [sflag:$0x3] =	stream.indirect.gather [hbm4b:s2+s13], $0x80, s4, s13, $0xb8;
	[tilespmem:$0x15900] =	vst v63  }
0x6e: {  	_ =	swait.ge [sflag:s29], $0x4000  }
0x6f: {  	[sflag:s29] =	ssyncset.done $0x0  }
0x70: {  	s4 =	sadd.s32 $0xFFFFF800, s18;
	[sflag:s29] =	ssyncadd.s32 $0xFFFFC000  }
0x71: {  	[hbm4b:s4+s3] =	stream.linear.scatter [tilespmem:s19], [sflag:$0x9], $0x4000, $0x38;
	[tilespmem:$0x15900] =	vst v63  }
0x72: {  	_ =	swait.ge [sflag:s30], $0x4000  }
0x73: {  	[sflag:s30] =	ssyncset.done $0x0  }
0x74: {  	s4 =	sadd.s32 $0x400, s20;
	[sflag:s30] =	ssyncadd.s32 $0xFFFFC000  }
0x75: {  	[tilespmem:s19], [sflag:$0x4] =	stream.indirect.gather [hbm4b:s2+s13], $0x80, s4, s13, $0xb8;
	[tilespmem:$0x15900] =	vst v63  }
0x76: {  	_ =	swait.ge [sflag:s31], $0x4000  }
0x77: {  	[sflag:s31] =	ssyncset.done $0x0  }
.Ltmp1:
0x78: {  	[sflag:s31] =	ssyncadd.s32 $0xFFFFC000;
	(pc) =	sbr.rel @p0 .LBB2_4-.Ltmp1, $4  }
0x79: {  	[hbm4b:s18+s3] =	stream.linear.scatter [tilespmem:s21], [sflag:$0xA], $0x4000, $0x38;
	[tilespmem:$0x15900] =	vst v63  }
0x7a: {  	_ =	swait.ge [sflag:s1], $0x4000  }
0x7b: {  	[sflag:s1] =	ssyncset.done $0x0  }
0x7c: {  	s20 =	sadd.s32 $0x480, s20;
	s18 =	sadd.s32 $0x2800, s18;
	[sflag:s1] =	ssyncadd.s32 $0xFFFFC000  }
0x7d: {  	[tilespmem:s21], [sflag:$0x5] =	stream.indirect.gather [hbm4b:s2+s13], $0x80, s20, s13, $0xb8;
	[tilespmem:$0x15900] =	vst v63  }
0x7e: {  	_ =	swait.ge [sflag:s22], $0x4000  }
0x7f: {  	[sflag:s22] =	ssyncset.done $0x0  }
0x80: {  	[sflag:s22] =	ssyncadd.s32 $0xFFFFC000  }
0x81: {  	[hbm4b:s5+s3] =	stream.linear.scatter [tilespmem:s14], [sflag:$0x6], $0x4000, $0x38;
	[tilespmem:$0x15900] =	vst v63  }
0x82: {  	_ =	swait.ge [sflag:s24], $0x4000  }
0x83: {  	[sflag:s24] =	ssyncset.done $0x0  }
0x84: {  	[sflag:s24] =	ssyncadd.s32 $0xFFFFC000  }
0x85: {  	[hbm4b:s6+s3] =	stream.linear.scatter [tilespmem:s15], [sflag:$0x7], $0x4000, $0x38;
	[tilespmem:$0x15900] =	vst v63  }
0x86: {  	_ =	swait.ge [sflag:s26], $0x4000  }
0x87: {  	[sflag:s26] =	ssyncset.done $0x0  }
0x88: {  	[sflag:s26] =	ssyncadd.s32 $0xFFFFC000  }
0x89: {  	[hbm4b:s7+s3] =	stream.linear.scatter [tilespmem:s17], [sflag:$0x8], $0x4000, $0x38;
	[tilespmem:$0x15900] =	vst v63  }
0x8a: {  	_ =	swait.ge [sflag:s29], $0x4000  }
0x8b: {  	[sflag:s29] =	ssyncset.done $0x0  }
0x8c: {  	[sflag:s29] =	ssyncadd.s32 $0xFFFFC000  }
0x8d: {  	[hbm4b:s8+s3] =	stream.linear.scatter [tilespmem:s19], [sflag:$0x9], $0x4000, $0x38;
	[tilespmem:$0x15900] =	vst v63  }
0x8e: {  	_ =	swait.ge [sflag:s31], $0x4000  }
0x8f: {  	[sflag:s31] =	ssyncset.done $0x0  }
0x90: {  	[sflag:s31] =	ssyncadd.s32 $0xFFFFC000  }
0x91: {  	[hbm4b:s9+s3] =	stream.linear.scatter [tilespmem:s21], [sflag:$0xA], $0x4000, $0x38;
	[tilespmem:$0x15900] =	vst v63  }
0x92: {  	_ =	swait.ge [sflag:s23], $0x4000  }
0x93: {  	[sflag:s23] =	ssyncset.done $0x0  }
0x94: {  	[sflag:s23] =	ssyncadd.s32 $0xFFFFC000  }
0x95: {  	_ =	swait.ge [sflag:s25], $0x4000  }
0x96: {  	[sflag:s25] =	ssyncset.done $0x0  }
0x97: {  	[sflag:s25] =	ssyncadd.s32 $0xFFFFC000  }
0x98: {  	_ =	swait.ge [sflag:s28], $0x4000  }
0x99: {  	[sflag:s28] =	ssyncset.done $0x0  }
0x9a: {  	s0 =	sadd.s32 $0x1, s0;
	[sflag:s28] =	ssyncadd.s32 $0xFFFFC000  }
0x9b: {  	p0 =	sne.s32 s0, s10;
	_ =	swait.ge [sflag:s30], $0x4000  }
.Ltmp2:
0x9c: {  	[sflag:s30] =	ssyncset.done $0x0;
	(pc) =	sbr.rel @p0 .LBB2_1-.Ltmp2, $4  }
0x9d: {  	[sflag:s30] =	ssyncadd.s32 $0xFFFFC000  }
0x9e: {  	_ =	swait.ge [sflag:s1], $0x4000  }
0x9f: {  	[sflag:s1] =	ssyncset.done $0x0  }
0xa0: {  	[sflag:s1] =	ssyncadd.s32 $0xFFFFC000  }
0xa1: {  	_ =	sfence.sel $0x180000  }
0xa2: {  	[bflag:$0x0] =	sbarrier.arrive $0xFFFF  }
0xa3: {  	_ =	strace $0x90000047  }
0xa4: {  	s0 =	stileid.u32;
	[bflag:$0x2] =	sbarrier.arrive $0xFFFF  }
0xa5: {  	p0 =	sne.s32 s0, $0x0;
	s0 =	rddreg [dreg:$0x3]  }
0xa6: {  	s0 =	sadd.s32 @!p0 $0x100000, s0  }
0xa7: {  	[sflag:s0] =	ssyncadd.tile.s32 @!p0 $0x1;
	_ =	shalt  }
.Lfunc_end2:
_tile_overlayer_lowered:
.L_overlay_start_2:
0xa8: {  	(tag) =	ssettag $0x2  }
0xa9: {  	s0 =	rddreg [dreg:$0x0];
	s2 =	stileid.u32  }
0xaa: {  	s1 =	rddreg [dreg:$0x1];
	p0 =	sne.s32 s2, $0x0  }
0xab: {  	s3 =	rddreg [dreg:$0x2];
	[bflag:$0x3] =	sbarrier.arrive $0xFFFF;
	s2 =	simm.s32 @!p0 $0x1C0B  }
0xac: {  	[timem:s3], [sflag:s2] =	dma.local @!p0 [hbm:s0], s1  }
0xad: {  	s0 =	simm.s32 @!p0 $0xB  }
0xae: {  	_ =	swait.ge @!p0 [sflag:s0], s1  }
0xaf: {  	s1 =	ssub.s32 @!p0 $0x0, s1;
	[sflag:s0] =	ssyncset.done @!p0 $0x0  }
0xb0: {  	[sflag:s0] =	ssyncadd.s32 @!p0 s1  }
0xb1: {  	[bflag:$0x3] =	sbarrier.arrive $0xFFFF  }
0xb2: {  	_ =	shalt  }

</sc_bundles>
